<compile_context>
chip_gen: v7x
topology: tpu7x:2x2x1
jax: 0.10.2.dev20260603
libtpu: 0.0.44.dev20260713+nightly
codegen_flags: <defaults>
</compile_context>

<pallas_src>
import jax
import jax.numpy as jnp
from jax.experimental import pallas as pl
from jax.experimental.pallas import tpu as pltpu

_BINS = 100
_CHUNK = 8192


def _hist_loss_kernel(f0_ref, f1_ref, gt_ref, out_ref, hp_ref, ha_ref, sz_ref):
    i = pl.program_id(0)
    nsteps = pl.num_programs(0)

    @pl.when(i == 0)
    def _init():
        hp_ref[...] = jnp.zeros_like(hp_ref)
        ha_ref[...] = jnp.zeros_like(ha_ref)
        sz_ref[...] = jnp.zeros_like(sz_ref)

    t = f0_ref[...] - f1_ref[...]
    z = t * t
    c = t.shape[0]
    ones_row = jnp.ones((1, c), dtype=jnp.float32)
    sz = jnp.dot(ones_row, z, preferred_element_type=jnp.float32)
    st = jnp.dot(ones_row, t, preferred_element_type=jnp.float32)
    dist2 = sz + 2e-6 * st + float(c) * 1e-12
    dist = jnp.sqrt(dist2)
    gt = gt_ref[...]
    pos = (gt == 0).astype(jnp.float32)
    in_range = (dist <= 1.0).astype(jnp.float32)
    idx = jnp.clip(jnp.floor(dist * float(_BINS)).astype(jnp.int32), 0, _BINS - 1)
    bins = jax.lax.broadcasted_iota(jnp.int32, (_BINS, 1), 0)
    onehot = (idx == bins).astype(jnp.float32)
    hp_ref[...] += jnp.sum(onehot * (pos * in_range), axis=1, keepdims=True)
    ha_ref[...] += jnp.sum(onehot * in_range, axis=1, keepdims=True)
    sz_ref[...] += jnp.sum(pos).reshape(1, 1)

    @pl.when(i == nsteps - 1)
    def _finalize():
        npix = nsteps * _CHUNK
        pos_size = sz_ref[0, 0]
        neg_size = float(npix) - pos_size
        hp = hp_ref[...] / pos_size
        hn = (ha_ref[...] - hp_ref[...]) / neg_size
        pointwise = jnp.where(hn > 0, hn * (jnp.log(hn) - hp), 0.0)
        out_ref[...] = (jnp.sum(pointwise) / float(_BINS) + 1.0).reshape(1, 1)


@jax.jit
def kernel(feat_t0, feat_t1, ground_truth):
    n, c, h, w = feat_t0.shape
    npix = h * w
    f0 = feat_t0.reshape(c, npix)
    f1 = feat_t1.reshape(c, npix)
    gt = ground_truth.reshape(1, npix)
    grid = npix // _CHUNK
    out = pl.pallas_call(
        _hist_loss_kernel,
        grid=(grid,),
        in_specs=[
            pl.BlockSpec((c, _CHUNK), lambda i: (0, i)),
            pl.BlockSpec((c, _CHUNK), lambda i: (0, i)),
            pl.BlockSpec((1, _CHUNK), lambda i: (0, i)),
        ],
        out_specs=pl.BlockSpec((1, 1), lambda i: (0, 0)),
        out_shape=jax.ShapeDtypeStruct((1, 1), jnp.float32),
        scratch_shapes=[
            pltpu.VMEM((_BINS, 1), jnp.float32),
            pltpu.VMEM((_BINS, 1), jnp.float32),
            pltpu.VMEM((1, 1), jnp.float32),
        ],
        compiler_params=pltpu.CompilerParams(
            dimension_semantics=("arbitrary",),
        ),
    )(f0, f1, gt)
    return out[0, 0]

# --- scband reference (transcript-rebuilt; emitter-appended) ---
"""Pipeline reference for scband-histogram-mask-loss-32444182954404 (READ-ONLY COPY).

The authoritative reference and input builder live on the scoring server;
editing this copy changes nothing except your own understanding.
"""

import jax, jax.numpy as jnp
import numpy as np


def setup_inputs(seed: int = 0) -> dict:
    key = jax.random.key(seed)
    k1, k2, k3 = jax.random.split(key, 3)
    # scale features so pairwise L2 distances land mostly inside [0, 1]
    # (histc range is [0,1]); sqrt(2*96)*0.05 ~= 0.69
    feat_t0 = jax.random.normal(k1, (1, 96, 512, 512), dtype=jnp.float32) * 0.05
    feat_t1 = jax.random.normal(k2, (1, 96, 512, 512), dtype=jnp.float32) * 0.05
    ground_truth = jax.random.randint(k3, (512, 512), 0, 2, dtype=jnp.int32)
    return {"feat_t0": feat_t0, "feat_t1": feat_t1, "ground_truth": ground_truth}


def _histc_weighted(values, weights, bins=100, vmin=0.0, vmax=1.0):
    # torch.histc semantics: values outside [vmin, vmax] are ignored;
    # value == vmax falls into the last bin.
    in_range = (values >= vmin) & (values <= vmax)
    scaled = (values - vmin) / (vmax - vmin) * bins
    idx = jnp.clip(jnp.floor(scaled).astype(jnp.int32), 0, bins - 1)
    w = weights * in_range.astype(weights.dtype)
    return jnp.zeros((bins,), dtype=weights.dtype).at[idx].add(w)


def reference(feat_t0, feat_t1, ground_truth):
    n, c, h, w = feat_t0.shape
    # original does feat.view(c, h*w) then transpose -> [h*w, c]
    out_t0_rz = feat_t0.reshape(c, h * w).T
    out_t1_rz = feat_t1.reshape(c, h * w).T
    # F.pairwise_distance with default eps=1e-6 (added to the difference)
    diff = out_t0_rz - out_t1_rz + 1e-6
    distance = jnp.sqrt(jnp.sum(diff * diff, axis=1))

    gt = ground_truth.reshape(h * w)
    pos_mask = (gt == 0).astype(jnp.float32)
    neg_mask = (gt != 0).astype(jnp.float32)
    pos_size = jnp.sum(pos_mask)
    neg_size = jnp.sum(neg_mask)

    hist_pos = _histc_weighted(distance, pos_mask) / pos_size
    hist_neg = _histc_weighted(distance, neg_mask) / neg_size

    # F.kl_div(input=hist_pos, target=hist_neg), reduction='mean':
    # mean over elements of target*(log(target) - input), with 0*log(0)=0
    pointwise = jnp.where(hist_neg > 0, hist_neg * (jnp.log(hist_neg) - hist_pos), 0.0)
    kl = jnp.mean(pointwise)
    loss = 1.0 / 1 + kl
    return loss

if __name__ == "__main__":
    import jax
    _d = setup_inputs()
    print(jax.jit(kernel)(*tuple(_d.values())))

</pallas_src>

<mosaic_0001>
module attributes {stable_mosaic.version = 14 : i64} {
  func.func @_hist_loss_kernel(%arg0: i32, %arg1: memref<96x8192xf32, #tpu.memory_space<vmem>>, %arg2: memref<96x8192xf32, #tpu.memory_space<vmem>>, %arg3: memref<1x8192xi32, #tpu.memory_space<vmem>>, %arg4: memref<1x1xf32, #tpu.memory_space<vmem>>, %arg5: memref<100x1xf32, #tpu.memory_space<vmem>>, %arg6: memref<100x1xf32, #tpu.memory_space<vmem>>, %arg7: memref<1x1xf32, #tpu.memory_space<vmem>>) attributes {dimension_semantics = [#tpu.dimension_semantics<arbitrary>], iteration_bounds = array<i64: 32>, scalar_prefetch = 0 : i64, scratch_operands = 3 : i64, tpu.core_type = #tpu.core_type<tc>, window_params = [{transform_indices = @transform_0, window_bounds = array<i64: 96, 8192>}, {transform_indices = @transform_1, window_bounds = array<i64: 96, 8192>}, {transform_indices = @transform_2, window_bounds = array<i64: 1, 8192>}, {pipeline_mode = #tpu.pipeline_mode<synchronous>, transform_indices = @transform_3, window_bounds = array<i64: 1, 1>}]} {
    %eq3A = arith.constant 0 : i32
    %eq3A_0 = arith.cmpi eq, %arg0, %eq3A : i32
    %convert_element_type3A = arith.extui %eq3A_0 : i1 to i32
    %cond3A = arith.constant 0 : i32
    %cond3A_1 = arith.cmpi ne, %convert_element_type3A, %cond3A : i32
    scf.if %cond3A_1 {
      %broadcast_in_dim3A_81 = arith.constant 0.000000e+00 : f32
      %broadcast_in_dim3A_82 = vector.broadcast %broadcast_in_dim3A_81 : f32 to vector<100x1xf32>
      %swap3A_83 = arith.constant 0 : index
      %swap3A_84 = arith.constant 0 : index
      %swap3A_85 = vector.load %arg5[%swap3A_83, %swap3A_84] : memref<100x1xf32, #tpu.memory_space<vmem>>, vector<100x1xf32>
      tpu.vector_store %arg5[%swap3A_83, %swap3A_84], %broadcast_in_dim3A_82 {strides = array<i32>} : memref<100x1xf32, #tpu.memory_space<vmem>>, vector<100x1xf32>,
      %broadcast_in_dim3A_86 = arith.constant 0.000000e+00 : f32
      %broadcast_in_dim3A_87 = vector.broadcast %broadcast_in_dim3A_86 : f32 to vector<100x1xf32>
      %swap3A_88 = arith.constant 0 : index
      %swap3A_89 = arith.constant 0 : index
      %swap3A_90 = vector.load %arg6[%swap3A_88, %swap3A_89] : memref<100x1xf32, #tpu.memory_space<vmem>>, vector<100x1xf32>
      tpu.vector_store %arg6[%swap3A_88, %swap3A_89], %broadcast_in_dim3A_87 {strides = array<i32>} : memref<100x1xf32, #tpu.memory_space<vmem>>, vector<100x1xf32>,
      %broadcast_in_dim3A_91 = arith.constant 0.000000e+00 : f32
      %broadcast_in_dim3A_92 = vector.broadcast %broadcast_in_dim3A_91 : f32 to vector<1x1xf32>
      %swap3A_93 = arith.constant 0 : index
      %swap3A_94 = arith.constant 0 : index
      %swap3A_95 = vector.load %arg7[%swap3A_93, %swap3A_94] : memref<1x1xf32, #tpu.memory_space<vmem>>, vector<1x1xf32>
      tpu.vector_store %arg7[%swap3A_93, %swap3A_94], %broadcast_in_dim3A_92 {strides = array<i32>} : memref<1x1xf32, #tpu.memory_space<vmem>>, vector<1x1xf32>,
    } else {
    }
    %get3A = arith.constant 0 : index
    %get3A_2 = arith.constant 0 : index
    %get3A_3 = vector.load %arg1[%get3A, %get3A_2] : memref<96x8192xf32, #tpu.memory_space<vmem>>, vector<96x8192xf32>
    %get3A_4 = arith.constant 0 : index
    %get3A_5 = arith.constant 0 : index
    %get3A_6 = vector.load %arg2[%get3A_4, %get3A_5] : memref<96x8192xf32, #tpu.memory_space<vmem>>, vector<96x8192xf32>
    %sub3A = arith.subf %get3A_3, %get3A_6 : vector<96x8192xf32>
    %mul3A = arith.mulf %sub3A, %sub3A : vector<96x8192xf32>
    %broadcast_in_dim3A = arith.constant 1.000000e+00 : f32
    %broadcast_in_dim3A_7 = vector.broadcast %broadcast_in_dim3A : f32 to vector<1x96xf32>
    %dot_general3A = arith.constant dense<0.000000e+00> : vector<1x8192xf32>
    %dot_general3A_8 = tpu.matmul %broadcast_in_dim3A_7, %mul3A, %dot_general3A {dimension_numbers = #tpu.dot_dimension_numbers<[1], [0], [0], [1], [0, 0, 1, 1], [], []>, transpose_lhs_hint = false} : vector<1x96xf32>, vector<96x8192xf32>, vector<1x8192xf32> -> vector<1x8192xf32>
    %dot_general3A_9 = arith.constant dense<0.000000e+00> : vector<1x8192xf32>
    %dot_general3A_10 = tpu.matmul %broadcast_in_dim3A_7, %sub3A, %dot_general3A_9 {dimension_numbers = #tpu.dot_dimension_numbers<[1], [0], [0], [1], [0, 0, 1, 1], [], []>, transpose_lhs_hint = false} : vector<1x96xf32>, vector<96x8192xf32>, vector<1x8192xf32> -> vector<1x8192xf32>
    %mul3A_11 = arith.constant 2.000000e-06 : f32
    %mul3A_12 = vector.broadcast %mul3A_11 : f32 to vector<1x8192xf32>
    %mul3A_13 = arith.mulf %mul3A_12, %dot_general3A_10 : vector<1x8192xf32>
    %add3A = arith.addf %dot_general3A_8, %mul3A_13 : vector<1x8192xf32>
    %add3A_14 = arith.constant 9.59999996E-11 : f32
    %add3A_15 = vector.broadcast %add3A_14 : f32 to vector<1x8192xf32>
    %add3A_16 = arith.addf %add3A, %add3A_15 : vector<1x8192xf32>
    %sqrt3A = math.sqrt %add3A_16 : vector<1x8192xf32>
    %get3A_17 = arith.constant 0 : index
    %get3A_18 = arith.constant 0 : index
    %get3A_19 = vector.load %arg3[%get3A_17, %get3A_18] : memref<1x8192xi32, #tpu.memory_space<vmem>>, vector<1x8192xi32>
    %eq3A_20 = arith.constant 0 : i32
    %eq3A_21 = vector.broadcast %eq3A_20 : i32 to vector<1x8192xi32>
    %eq3A_22 = arith.cmpi eq, %get3A_19, %eq3A_21 : vector<1x8192xi32>
    %convert_element_type3A_23 = arith.extui %eq3A_22 : vector<1x8192xi1> to vector<1x8192xi32>
    %convert_element_type3A_24 = arith.sitofp %convert_element_type3A_23 : vector<1x8192xi32> to vector<1x8192xf32>
    %le3A = arith.constant 1.000000e+00 : f32
    %le3A_25 = vector.broadcast %le3A : f32 to vector<1x8192xf32>
    %le3A_26 = arith.cmpf ole, %sqrt3A, %le3A_25 : vector<1x8192xf32>
    %convert_element_type3A_27 = arith.extui %le3A_26 : vector<1x8192xi1> to vector<1x8192xi32>
    %convert_element_type3A_28 = arith.sitofp %convert_element_type3A_27 : vector<1x8192xi32> to vector<1x8192xf32>
    %mul3A_29 = arith.constant 1.000000e+02 : f32
    %mul3A_30 = vector.broadcast %mul3A_29 : f32 to vector<1x8192xf32>
    %mul3A_31 = arith.mulf %sqrt3A, %mul3A_30 : vector<1x8192xf32>
    %floor3A = math.floor %mul3A_31 : vector<1x8192xf32>
    %convert_element_type3A_32 = arith.fptosi %floor3A : vector<1x8192xf32> to vector<1x8192xi32>
    %jit3A = arith.constant 0 : i32
    %jit3A_33 = arith.constant 99 : i32
    %max3A = vector.broadcast %jit3A : i32 to vector<1x8192xi32>
    %max3A_34 = arith.maxsi %max3A, %convert_element_type3A_32 : vector<1x8192xi32>
    %min3A = vector.broadcast %jit3A_33 : i32 to vector<1x8192xi32>
    %min3A_35 = arith.minsi %min3A, %max3A_34 : vector<1x8192xi32>
    %iota3A = tpu.iota {dimensions = array<i32: 0>} : vector<100x1xi32>
    %eq3A_36 = vector.broadcast %min3A_35 : vector<1x8192xi32> to vector<100x8192xi32>
    %eq3A_37 = vector.broadcast %iota3A : vector<100x1xi32> to vector<100x8192xi32>
    %eq3A_38 = arith.cmpi eq, %eq3A_36, %eq3A_37 : vector<100x8192xi32>
    %convert_element_type3A_39 = arith.extui %eq3A_38 : vector<100x8192xi1> to vector<100x8192xi32>
    %convert_element_type3A_40 = arith.sitofp %convert_element_type3A_39 : vector<100x8192xi32> to vector<100x8192xf32>
    %get3A_41 = arith.constant 0 : index
    %get3A_42 = arith.constant 0 : index
    %get3A_43 = vector.load %arg5[%get3A_41, %get3A_42] : memref<100x1xf32, #tpu.memory_space<vmem>>, vector<100x1xf32>
    %mul3A_44 = arith.mulf %convert_element_type3A_24, %convert_element_type3A_28 : vector<1x8192xf32>
    %mul3A_45 = vector.broadcast %mul3A_44 : vector<1x8192xf32> to vector<100x8192xf32>
    %mul3A_46 = arith.mulf %convert_element_type3A_40, %mul3A_45 : vector<100x8192xf32>
    %reduce_sum3A = arith.constant dense<0.000000e+00> : vector<100xf32>
    %reduce_sum3A_47 = vector.multi_reduction <add>, %mul3A_46, %reduce_sum3A [1] : vector<100x8192xf32> to vector<100xf32>
    %broadcast_in_dim3A_48 = vector.shape_cast %reduce_sum3A_47 : vector<100xf32> to vector<100x1xf32>
    %add3A_49 = arith.addf %get3A_43, %broadcast_in_dim3A_48 : vector<100x1xf32>
    %swap3A = arith.constant 0 : index
    %swap3A_50 = arith.constant 0 : index
    %swap3A_51 = vector.load %arg5[%swap3A, %swap3A_50] : memref<100x1xf32, #tpu.memory_space<vmem>>, vector<100x1xf32>
    tpu.vector_store %arg5[%swap3A, %swap3A_50], %add3A_49 {strides = array<i32>} : memref<100x1xf32, #tpu.memory_space<vmem>>, vector<100x1xf32>,
    %get3A_52 = arith.constant 0 : index
    %get3A_53 = arith.constant 0 : index
    %get3A_54 = vector.load %arg6[%get3A_52, %get3A_53] : memref<100x1xf32, #tpu.memory_space<vmem>>, vector<100x1xf32>
    %mul3A_55 = vector.broadcast %convert_element_type3A_28 : vector<1x8192xf32> to vector<100x8192xf32>
    %mul3A_56 = arith.mulf %convert_element_type3A_40, %mul3A_55 : vector<100x8192xf32>
    %reduce_sum3A_57 = arith.constant dense<0.000000e+00> : vector<100xf32>
    %reduce_sum3A_58 = vector.multi_reduction <add>, %mul3A_56, %reduce_sum3A_57 [1] : vector<100x8192xf32> to vector<100xf32>
    %broadcast_in_dim3A_59 = vector.shape_cast %reduce_sum3A_58 : vector<100xf32> to vector<100x1xf32>
    %add3A_60 = arith.addf %get3A_54, %broadcast_in_dim3A_59 : vector<100x1xf32>
    %swap3A_61 = arith.constant 0 : index
    %swap3A_62 = arith.constant 0 : index
    %swap3A_63 = vector.load %arg6[%swap3A_61, %swap3A_62] : memref<100x1xf32, #tpu.memory_space<vmem>>, vector<100x1xf32>
    tpu.vector_store %arg6[%swap3A_61, %swap3A_62], %add3A_60 {strides = array<i32>} : memref<100x1xf32, #tpu.memory_space<vmem>>, vector<100x1xf32>,
    %get3A_64 = arith.constant 0 : index
    %get3A_65 = arith.constant 0 : index
    %get3A_66 = vector.load %arg7[%get3A_64, %get3A_65] : memref<1x1xf32, #tpu.memory_space<vmem>>, vector<1x1xf32>
    %reduce_sum3A_67 = vector.shape_cast %convert_element_type3A_24 : vector<1x8192xf32> to vector<1x1x8192xf32>
    %reduce_sum3A_68 = arith.constant dense<0.000000e+00> : vector<1xf32>
    %reduce_sum3A_69 = vector.multi_reduction <add>, %reduce_sum3A_67, %reduce_sum3A_68 [1, 2] : vector<1x1x8192xf32> to vector<1xf32>
    %reduce_sum3A_70 = vector.shape_cast %reduce_sum3A_69 : vector<1xf32> to vector<1x1x1xf32>
    %reduce_sum3A_71 = vector.extract %reduce_sum3A_70[0, 0, 0] : f32 from vector<1x1x1xf32>
    %reshape3A = vector.broadcast %reduce_sum3A_71 : f32 to vector<1x1xf32>
    %add3A_72 = arith.addf %get3A_66, %reshape3A : vector<1x1xf32>
    %swap3A_73 = arith.constant 0 : index
    %swap3A_74 = arith.constant 0 : index
    %swap3A_75 = vector.load %arg7[%swap3A_73, %swap3A_74] : memref<1x1xf32, #tpu.memory_space<vmem>>, vector<1x1xf32>
    tpu.vector_store %arg7[%swap3A_73, %swap3A_74], %add3A_72 {strides = array<i32>} : memref<1x1xf32, #tpu.memory_space<vmem>>, vector<1x1xf32>,
    %eq3A_76 = arith.constant 31 : i32
    %eq3A_77 = arith.cmpi eq, %arg0, %eq3A_76 : i32
    %convert_element_type3A_78 = arith.extui %eq3A_77 : i1 to i32
    %cond3A_79 = arith.constant 0 : i32
    %cond3A_80 = arith.cmpi ne, %convert_element_type3A_78, %cond3A_79 : i32
    scf.if %cond3A_80 {
      %get3A_81 = arith.constant 0 : index
      %get3A_82 = arith.constant 0 : index
      %get3A_83 = vector.load %arg7[%get3A_81, %get3A_82] : memref<1x1xf32, #tpu.memory_space<vmem>>, vector<1x1xf32>
      %get3A_84 = vector.extract %get3A_83[0, 0] : f32 from vector<1x1xf32>
      %sub3A_85 = arith.constant 2.621440e+05 : f32
      %sub3A_86 = arith.subf %sub3A_85, %get3A_84 : f32
      %get3A_87 = arith.constant 0 : index
      %get3A_88 = arith.constant 0 : index
      %get3A_89 = vector.load %arg5[%get3A_87, %get3A_88] : memref<100x1xf32, #tpu.memory_space<vmem>>, vector<100x1xf32>
      %div3A = vector.broadcast %get3A_84 : f32 to vector<100x1xf32>
      %div3A_90 = arith.divf %get3A_89, %div3A : vector<100x1xf32>
      %get3A_91 = arith.constant 0 : index
      %get3A_92 = arith.constant 0 : index
      %get3A_93 = vector.load %arg6[%get3A_91, %get3A_92] : memref<100x1xf32, #tpu.memory_space<vmem>>, vector<100x1xf32>
      %get3A_94 = arith.constant 0 : index
      %get3A_95 = arith.constant 0 : index
      %get3A_96 = vector.load %arg5[%get3A_94, %get3A_95] : memref<100x1xf32, #tpu.memory_space<vmem>>, vector<100x1xf32>
      %sub3A_97 = arith.subf %get3A_93, %get3A_96 : vector<100x1xf32>
      %div3A_98 = vector.broadcast %sub3A_86 : f32 to vector<100x1xf32>
      %div3A_99 = arith.divf %sub3A_97, %div3A_98 : vector<100x1xf32>
      %gt3A = arith.constant 0.000000e+00 : f32
      %gt3A_100 = vector.broadcast %gt3A : f32 to vector<100x1xf32>
      %gt3A_101 = arith.cmpf ogt, %div3A_99, %gt3A_100 : vector<100x1xf32>
      %log3A = math.log %div3A_99 : vector<100x1xf32>
      %sub3A_102 = arith.subf %log3A, %div3A_90 : vector<100x1xf32>
      %mul3A_103 = arith.mulf %div3A_99, %sub3A_102 : vector<100x1xf32>
      %jit3A_104 = arith.constant 0.000000e+00 : f32
      %broadcast_in_dim3A_105 = vector.broadcast %jit3A_104 : f32 to vector<100x1xf32>
      %select_n3A = arith.select %gt3A_101, %mul3A_103, %broadcast_in_dim3A_105 : vector<100x1xi1>, vector<100x1xf32>
      %reduce_sum3A_106 = vector.shape_cast %select_n3A : vector<100x1xf32> to vector<1x100x1xf32>
      %reduce_sum3A_107 = arith.constant dense<0.000000e+00> : vector<1xf32>
      %reduce_sum3A_108 = vector.multi_reduction <add>, %reduce_sum3A_106, %reduce_sum3A_107 [1, 2] : vector<1x100x1xf32> to vector<1xf32>
      %reduce_sum3A_109 = vector.shape_cast %reduce_sum3A_108 : vector<1xf32> to vector<1x1x1xf32>
      %reduce_sum3A_110 = vector.extract %reduce_sum3A_109[0, 0, 0] : f32 from vector<1x1x1xf32>
      %div3A_111 = arith.constant 1.000000e+02 : f32
      %div3A_112 = arith.divf %reduce_sum3A_110, %div3A_111 : f32
      %add3A_113 = arith.constant 1.000000e+00 : f32
      %add3A_114 = arith.addf %div3A_112, %add3A_113 : f32
      %reshape3A_115 = vector.broadcast %add3A_114 : f32 to vector<1x1xf32>
      %swap3A_116 = arith.constant 0 : index
      %swap3A_117 = arith.constant 0 : index
      %swap3A_118 = vector.load %arg4[%swap3A_116, %swap3A_117] : memref<1x1xf32, #tpu.memory_space<vmem>>, vector<1x1xf32>
      tpu.vector_store %arg4[%swap3A_116, %swap3A_117], %reshape3A_115 {strides = array<i32>} : memref<1x1xf32, #tpu.memory_space<vmem>>, vector<1x1xf32>,
    } else {
    }
    return
  }
  func.func @transform_0(%arg0: i32) -> (i32, i32) {
    %c0_i32 = arith.constant 0 : i32
    %c0_i32_0 = arith.constant 0 : i32
    return %c0_i32, %arg0 : i32, i32
  }
  func.func @transform_1(%arg0: i32) -> (i32, i32) {
    %c0_i32 = arith.constant 0 : i32
    %c0_i32_0 = arith.constant 0 : i32
    return %c0_i32, %arg0 : i32, i32
  }
  func.func @transform_2(%arg0: i32) -> (i32, i32) {
    %c0_i32 = arith.constant 0 : i32
    %c0_i32_0 = arith.constant 0 : i32
    return %c0_i32, %arg0 : i32, i32
  }
  func.func @transform_3(%arg0: i32) -> (i32, i32) {
    %c0_i32 = arith.constant 0 : i32
    %c0_i32_0 = arith.constant 0 : i32
    %c0_i32_1 = arith.constant 0 : i32
    return %c0_i32, %c0_i32_0 : i32, i32
  }
}

</mosaic_0001>

<sc_bundles>
// kernel: sparse-core-data-format-call.1.cloned.1.call-start
scs
called_computation.1_lowered:
.L_overlay_start_0:
0x0: {  	s2 =	sld [smem:$0x3FD9]  }
0x1: {  	s3 =	sld [smem:$0x3FFE];
	_ =	sdelay $0x1  }
0x2: {  	s1 =	srdreg.scid  }
0x3: {  	s0 =	sand.u32 $0x1, s1  }
0x4: {  	s18 =	sshll.u32 s0, $0xA;
	s2 =	sadd.s32 s3, s2  }
0x5: {  	s2 =	sadd.s32 s2, s18  }
0x6: {  	[smem:$0x3FC5] =	sst s2  }
0x7: {  	_ = 	snop  }
0x8: {  	s2 =	sld [smem:$0x3FC9];
	(tm) =	ssettm $0x1  }
0x9: {  	s19 =	sld [smem:$0x3FFB];
	_ =	sdelay $0x3  }
0xa: {  	_ =	strace s19  }
0xb: {  	s3 =	sld [smem:$0x3FFC];
	_ =	sdelay $0x3  }
0xc: {  	_ =	strace s3  }
0xd: {  	s3 =	sld [smem:$0x3FFD];
	_ =	sdelay $0x3  }
0xe: {  	_ =	strace s3  }
0xf: {  	_ =	strace $0x8FFFFFFF  }
0x10: {  	s20 =	sld [smem:$0x3FDB];
	_ =	sdelay $0x1  }
0x11: {  	s4 =	simm.s32 $_scs_section_size  }
0x12: {  	s5 =	simm.s32 $_size__tile_overlayer_lowered;
	s6 =	simm.s32 $_tile_overlayer_lowered  }
0x13: {  	s23 =	simm.s32 $0x1BFF;
	s22 =	sshll.u32 s6, $0x1;
	s3 =	sadd.s32 s4, s20  }
0x14: {  	s7 =	simm.s32 $0x0;
	s21 =	sshll.u32 s5, $0x1;
	s5 =	sadd.s32 s22, s3  }
0x15: {  	[timem:s7], [sflag:s23] =	dma.local [hbm:s5], s21  }
0x16: {  	_ =	swait.ge [sflag:s23], s21  }
0x17: {  	s4 =	ssub.s32 $0x0, s21;
	[sflag:s23] =	ssyncset.done $0x0  }
0x18: {  	[sflag:s23] =	ssyncadd.s32 s4;
	_ =	sdelay $0x1  }
0x19: {  	s24 =	simm.s32 $0x1B8B  }
0x1a: {  	_ =	swait.ge [sflag:s24], $0x1  }
0x1b: {  	[sflag:s24] =	ssyncset.done $0x0  }
0x1c: {  	s26 =	simm.s32 $0x1B8E;
	s25 =	sld [smem:$0x3FFE];
	[sflag:s24] =	ssyncadd.s32 $0xFFFFFFFF  }
0x1d: {  	s27 =	simm.s32 $execute0_lowered;
	[smem:$0x3FD2] =	sst s26  }
0x1e: {  	s5 =	sshll.u32 s27, $0x1;
	_ =	strace $0x80000046;
	[dreg:$0x1] =	wrdreg $0xFFFFFFFF  }
0x1f: {  	s28 =	simm.s32 $_size_execute0_lowered;
	s3 =	sadd.s32 s3, s5;
	[dreg:$0x0] =	wrdreg $0x0  }
0x20: {  	s5 =	sshll.u32 s28, $0x1;
	[dreg:$0x2] =	wrdreg s3  }
0x21: {  	[dreg:$0x3] =	wrdreg s5  }
0x22: {  	[dreg:$0x4] =	wrdreg $0xC0  }
0x23: {  	_ =	task [dreg:s7], $0x5FFFF  }
0x24: {  	[dreg:$0x1] =	wrdreg $0xFFFFFFFF  }
0x25: {  	[dreg:$0x0] =	wrdreg $0x60  }
0x26: {  	[dreg:$0x2] =	wrdreg s2  }
0x27: {  	[dreg:$0x3] =	wrdreg s25  }
0x28: {  	[dreg:$0x4] =	wrdreg $0xA  }
0x29: {  	_ =	task.clear_ibuf [dreg:s7], $0x5FFFF;
	_ =	strace $0x90000046  }
0x2a: {  	s29 =	simm.s32 $0xA;
	_ =	strace $0x80000048  }
0x2b: {  	_ =	swait.ge [sflag:s29], $0x1  }
0x2c: {  	[sflag:s29] =	ssyncadd.s32 $0xFFFFFFFF  }
0x2d: {  	_ =	strace $0x90000048  }
0x2e: {  	_ =	sfence  }
0x2f: {  	s30 =	sld [smem:$0x0];
	_ =	sdelay $0x2  }
0x30: {  	s31 =	sshll.u32 s1, $0xD;
	s1 =	sshrl.u32 s1, $0x2  }
0x31: {  	s3 =	sand.u32 $0x4000, s31;
	s1 =	sadd.s32 s1, s30  }
0x32: {  	s0 =	sor.u32 s3, s0;
	s1 =	sshll.u32 s1, $0x11  }
0x33: {  	s0 =	sor.u32 s1, s0  }
0x34: {  	s0 =	sadd.s32 $0x8F2B, s0  }
0x35: {  	[sflag:s0] =	ssyncadd.remote.s32 $0x1  }
0x36: {  	_ =	sfence.sel $0xFFFF  }
0x37: {  	[dreg:$0x0] =	wrdreg $0xFFFFFFFF;
	(pc) =	sbr.abs _section_cstart, $3  }
0x38: {  	[dreg:$0x1] =	wrdreg $0xFFFFFFFF  }
0x39: {  	_ =	task.clear_ibuf [dreg:s7], $0x2FFFF;
	_ =	strace $0x9FFFFFFF  }
0x3a: {  	(tm) =	ssettm $0x7FFFFFFF  }
0x3b: {  	_ =	shalt  }
tec
execute0_lowered:
.L_overlay_start_1:
0x0: {  	(tag) =	ssettag $0x1  }
0x1: {  	s0 =	stileid.u32;
	s3 =	rddreg [dreg:$0x0]  }
0x2: {  	s1 =	srdreg.scid;
	s6 =	rddreg [dreg:$0x1]  }
0x3: {  	s8 =	simm.s32 $0x2;
	s2 =	sshll.u32 s0, $0x4;
	s1 =	sshll.u32 s1, $0x8  }
0x4: {  	s16 =	simm.s32 $0x0;
	s9 =	simm.s32 $0x1000;
	s1 =	sor.u32 s2, s1  }
0x5: {  	s10 =	simm.s32 $0x0;
	s17 =	simm.s32 $0x0;
	s2 =	sand.u32 $0x180, s1  }
0x6: {  	s19 =	simm.s32 $0x0;
	s18 =	simm.s32 $0x0;
	s1 =	ssub.s32 $0x200, s2  }
0x7: {  	s11 =	simm.s32 $0x0;
	s14 =	simm.s32 $0x0;
	s4 =	sand.u32 $0x180, s1  }
0x8: {  	s15 =	simm.s32 $0x0;
	p0 =	sne.s32 s4, $0x0;
	s4 =	simm.s32 $0x1  }
.Ltmp0:
0x9: {  	s5 =	sshrl.u32 s1, $0x9;
	s4 =	simm.s32 @!p0 $0x0;
	(pc) =	sbr.rel .LBB1_1-.Ltmp0, $4  }
0xa: {  	s7 =	sand.u32 $0x7, s0;
	s1 =	rddreg [dreg:$0x2];
	s5 =	sadd.s32 s4, s5  }
0xb: {  	_ =	strace $0x80000047;
	s4 =	simm.s32 $0x1;
	s5 =	smul.u32 $0x30, s5  }
0xc: {  	s6 =	sadd.s32 $0xA00, s6;
	s13 =	smov.u32 s7;
	[sflag:s4] =	ssyncpa.u1 $0x0  }
0xd: {  	s12 =	smov.u32 s2;
	[sflag:s8] =	ssyncpa.u1 $0x0;
	s8 =	sor.u32 $0x1, s5  }
.LBB1_4:
0xe: {  	_ =	sdelay $0x3  }
0xf: {  	[tilespmem:v0+s22+$0xFFFFFFA0 ss:$0x1] =	vst.idx.msk $0xffff, v6  }
0x10: {  	v56 =	vld.idx.msk [tilespmem:v1+s21+$0x30 ss:$0x1], $0xffff;
	[tilespmem:v0+s22+$0xFFFFFFB0 ss:$0x1] =	vst.idx.msk $0xffff, v4  }
0x11: {  	v57 =	vld.idx.msk [tilespmem:v1+s21+$0xFFFFFFC0 ss:$0x1], $0xffff;
	[tilespmem:v0+s22+$0xFFFFFFC0 ss:$0x1] =	vst.idx.msk $0xffff, v2  }
0x12: {  	v58 =	vld.idx.msk [tilespmem:v1+s21+$0xFFFFFFD0 ss:$0x1], $0xffff;
	[tilespmem:v0+s22+$0xFFFFFFD0 ss:$0x1] =	vst.idx.msk $0xffff, v3  }
0x13: {  	v59 =	vld.idx.msk [tilespmem:v1+s21+$0xFFFFFFE0 ss:$0x1], $0xffff;
	[tilespmem:v0+s22+$0xFFFFFFE0 ss:$0x1] =	vst.idx.msk $0xffff, v5  }
0x14: {  	v60 =	vld.idx.msk [tilespmem:v1+s21+$0xFFFFFFF0 ss:$0x1], $0xffff;
	[tilespmem:v0+s22+$0xFFFFFFF0 ss:$0x1] =	vst.idx.msk $0xffff, v7  }
0x15: {  	v61 =	vld.idx.msk [tilespmem:v1+s21+$0x0 ss:$0x1], $0xffff;
	[tilespmem:v0+s21+$0x0 ss:$0x1] =	vst.idx.msk $0xffff, v56  }
0x16: {  	v62 =	vld.idx.msk [tilespmem:v1+s21+$0x10 ss:$0x1], $0xffff;
	[tilespmem:v0+s21+$0xFFFFFF90 ss:$0x1] =	vst.idx.msk $0xffff, v57  }
0x17: {  	s19 =	sshll.u32 s19, $0x7;
	v63 =	vld.idx.msk [tilespmem:v1+s21+$0x20 ss:$0x1], $0xffff;
	s29 =	sand.u32 $0x78, s16;
	[tilespmem:v0+s21+$0xFFFFFFA0 ss:$0x1] =	vst.idx.msk $0xffff, v58  }
0x18: {  	s30 =	sshll.u32 s16, $0x3;
	s18 =	sshll.u32 s18, $0x12;
	s19 =	sand.u32 $0x380, s19;
	[tilespmem:v0+s21+$0xFFFFFFB0 ss:$0x1] =	vst.idx.msk $0xffff, v59  }
0x19: {  	s17 =	sshll.u32 s17, $0x9;
	s22 =	sand.u32 $0xC00, s30;
	s19 =	sor.u32 s29, s19;
	[tilespmem:v0+s21+$0xFFFFFFC0 ss:$0x1] =	vst.idx.msk $0xffff, v60  }
0x1a: {  	s31 =	sand.u32 $0x7, s16;
	s18 =	sadd.s32 s6, s18;
	s19 =	sor.u32 s22, s19;
	[tilespmem:v0+s21+$0xFFFFFFD0 ss:$0x1] =	vst.idx.msk $0xffff, v61  }
0x1b: {  	s16 =	sshll.u32 s31, $0x12;
	s17 =	sadd.s32 s17, s18;
	s19 =	sshrl.u32 s19, $0x3;
	[tilespmem:v0+s21+$0xFFFFFFE0 ss:$0x1] =	vst.idx.msk $0xffff, v62  }
0x1c: {  	s16 =	sor.u32 $0x80, s16;
	[tilespmem:v0+s21+$0xFFFFFFF0 ss:$0x1] =	vst.idx.msk $0xffff, v63;
	s17 =	sadd.s32 s19, s17  }
0x1d: {  	[hbm4b:s17+s16] =	stream.strided.scatter [tilespmem:s20], [sflag:$0x2], $0x4000, s9, s16, $0x38;
	[tilespmem:$0x10000] =	vst v63  }
.LBB1_5:
0x1e: {  	s20 =	sadd.s32 $0x80, s11  }
0x1f: {  	s16 =	sadd.s32 $0x200, s12;
	s21 =	smov.u32 s12;
	p1 =	sgt.s32 s20, $0x1FF  }
0x20: {  	s21 =	smov.u32 @p1 s16  }
0x21: {  	s22 =	smov.u32 s13;
	s16 =	sadd.s32 $0x8, s13;
	p2 =	sgt.s32 s21, $0x1FF  }
0x22: {  	s22 =	smov.u32 @p2 s16  }
0x23: {  	s16 =	simm.s32 $0x1;
	p3 =	sgt.s32 s22, $0x7  }
0x24: {  	s16 =	simm.s32 @!p3 $0x0  }
0x25: {  	p0 =	slt.u32 s15, $0x2;
	s24 =	sadd.s32 s16, s14  }
0x26: {  	s17 =	smov.u32 s12;
	s20 =	simm.s32 @p1 $0x0;
	p1 =	sgt.s32 s24, $0xB  }
0x27: {  	s23 =	simm.s32 @!p0 $0x2;
	s24 =	simm.s32 @p1 $0x0;
	p1 =	sne.s32 s15, s8  }
.Ltmp1:
0x28: {  	s19 =	smov.u32 s13;
	_ =	swait.ge @!p0 [sflag:s23], $0x4000;
	(pc) =	sbr.rel @!p1 .LBB1_6-.Ltmp1, $4  }
0x29: {  	s18 =	smov.u32 s14;
	[sflag:s23] =	ssyncset.done @!p0 $0x0;
	s21 =	smov.u32 @p2 s2  }
0x2a: {  	s10 =	sadd.s32 $0x4000, s10;
	[sflag:s23] =	ssyncadd.s32 @!p0 $0xFFFFC000;
	s12 =	smov.u32 s21  }
0x2b: {  	s22 =	smov.u32 @p3 s7;
	s16 =	smov.u32 s11;
	s11 =	smov.u32 s20  }
0x2c: {  	s13 =	smov.u32 s22;
	s15 =	sadd.s32 $0x1, s15;
	s14 =	smov.u32 s24  }
.LBB1_1:
0x2d: {  	p0 =	sge.u32 s15, s5;
	s31 =	sadd.s32 $0xFFFFFFFF, s15  }
0x2e: {  	s20 =	sxor.u32 @!p0 $0xFFFFFFFF, s15;
	s21 =	sand.u32 @!p0 $0x78, s11;
	s22 =	sshll.u32 @!p0 s12, $0x9  }
0x2f: {  	s23 =	sshll.u32 @!p0 s11, $0x3;
	s24 =	sshll.u32 @!p0 s12, $0x7;
	s20 =	sshll.u32 @!p0 s20, $0xE  }
0x30: {  	s22 =	sand.u32 @!p0 $0x3F000, s22;
	s23 =	sand.u32 @!p0 $0x3FC00, s23;
	s20 =	sand.u32 @!p0 $0x4000, s20  }
0x31: {  	s22 =	sadd.s32 @!p0 s22, s23;
	s23 =	sand.u32 @!p0 $0x200, s24;
	s24 =	sand.u32 @!p0 $0x180, s24  }
0x32: {  	s22 =	sor.u32 @!p0 s23, s22;
	s21 =	sor.u32 @!p0 s21, s24;
	s23 =	sshll.u32 @!p0 s14, $0x12  }
0x33: {  	s24 =	sshll.u32 @!p0 s13, $0xF;
	s22 =	sshrl.u32 @!p0 s22, $0x3;
	s23 =	sadd.s32 @!p0 s3, s23  }
0x34: {  	s21 =	sshrl.u32 @!p0 s21, $0x3;
	s23 =	sadd.s32 @!p0 s24, s23;
	s24 =	sand.u32 @!p0 $0x7, s11  }
0x35: {  	s22 =	sand.u32 @!p0 $0x7FC0, s22;
	s21 =	sadd.s32 @!p0 s21, s23;
	s23 =	sshll.u32 @!p0 s24, $0x12  }
0x36: {  	s21 =	sadd.s32 @!p0 s22, s21;
	s22 =	sor.u32 @!p0 $0x400, s23;
	s23 =	simm.s32 @!p0 $0x1000  }
0x37: {  	[tilespmem:s20], [sflag:$0x1] =	stream.strided.gather @!p0 [hbm4b:s21+s22], $0x4000, s23, s22, $0x38;
	[tilespmem:$0x10000] =	vst v63  }
0x38: {  	p0 =	sge.u32 s31, s5  }
.Ltmp2:
0x39: {  	_ = 	snop;
	(pc) =	sbr.rel @p0 .LBB1_5-.Ltmp2, $1  }
0x3a: {  	_ =	sdelay $0x3  }
0x3b: {  	s20 =	sand.u32 $0x4000, s10  }
0x3c: {  	s21 =	sor.u32 $0x40, s20  }
0x3d: {  	v1 =	vmov s21;
	_ =	sdelay $0x1  }
0x3e: {  	_ =	swait.ge [sflag:s4], $0x4000  }
0x3f: {  	[sflag:s4] =	ssyncset.done $0x0  }
0x40: {  	s22 =	simm.s32 $0x0;
	[sflag:s4] =	ssyncadd.s32 $0xFFFFC000  }
0x41: {  	s20 =	sor.u32 $0x8070, s20;
	v7 =	vld.idx.msk [tilespmem:v1+s22+$0x30 ss:$0x1], $0xffff  }
0x42: {  	v0 =	vmov s20;
	v8 =	vld.idx.msk [tilespmem:v1+s22+$0xFFFFFFC0 ss:$0x1], $0xffff  }
0x43: {  	v6 =	vld.idx.msk [tilespmem:v1+s22+$0xFFFFFFD0 ss:$0x1], $0xffff  }
0x44: {  	v4 =	vld.idx.msk [tilespmem:v1+s22+$0xFFFFFFE0 ss:$0x1], $0xffff  }
0x45: {  	v2 =	vld.idx.msk [tilespmem:v1+s22+$0xFFFFFFF0 ss:$0x1], $0xffff  }
0x46: {  	s31 =	sshll.u32 s15, $0xE;
	v3 =	vld.idx.msk [tilespmem:v1+s22+$0x0 ss:$0x1], $0xffff  }
0x47: {  	s20 =	sand.u32 $0x4000, s31;
	v5 =	vld.idx.msk [tilespmem:v1+s22+$0x10 ss:$0x1], $0xffff;
	[tilespmem:v0+s22+$0x0 ss:$0x1] =	vst.idx.msk $0xffff, v7  }
0x48: {  	s23 =	simm.s32 $0x400;
	s21 =	simm.s32 $0x80;
	s20 =	sor.u32 $0x8000, s20;
	[tilespmem:v0+s22+$0xFFFFFF90 ss:$0x1] =	vst.idx.msk $0xffff, v8;
	v7 =	vld.idx.msk [tilespmem:v1+s22+$0x20 ss:$0x1], $0xffff  }
.LBB1_3:
0x49: {  	p0 =	sne.s32 s23, $0xFE00;
	v8 =	vld.idx.msk [tilespmem:v1+s21+$0x30 ss:$0x1], $0xffff;
	[tilespmem:v0+s22+$0xFFFFFFA0 ss:$0x1] =	vst.idx.msk $0xffff, v6  }
0x4a: {  	v9 =	vld.idx.msk [tilespmem:v1+s21+$0xFFFFFFC0 ss:$0x1], $0xffff;
	[tilespmem:v0+s22+$0xFFFFFFB0 ss:$0x1] =	vst.idx.msk $0xffff, v4  }
0x4b: {  	v6 =	vld.idx.msk [tilespmem:v1+s21+$0xFFFFFFD0 ss:$0x1], $0xffff;
	[tilespmem:v0+s22+$0xFFFFFFC0 ss:$0x1] =	vst.idx.msk $0xffff, v2  }
.Ltmp3:
0x4c: {  	v4 =	vld.idx.msk [tilespmem:v1+s21+$0xFFFFFFE0 ss:$0x1], $0xffff;
	[tilespmem:v0+s22+$0xFFFFFFD0 ss:$0x1] =	vst.idx.msk $0xffff, v3;
	(pc) =	sbr.rel @p0 .LBB1_3-.Ltmp3, $4  }
0x4d: {  	v2 =	vld.idx.msk [tilespmem:v1+s21+$0xFFFFFFF0 ss:$0x1], $0xffff;
	[tilespmem:v0+s22+$0xFFFFFFE0 ss:$0x1] =	vst.idx.msk $0xffff, v5  }
0x4e: {  	v3 =	vld.idx.msk [tilespmem:v1+s21+$0x0 ss:$0x1], $0xffff;
	[tilespmem:v0+s22+$0xFFFFFFF0 ss:$0x1] =	vst.idx.msk $0xffff, v7;
	s22 =	smov.u32 s21  }
0x4f: {  	v5 =	vld.idx.msk [tilespmem:v1+s22+$0x10 ss:$0x1], $0xffff;
	[tilespmem:v0+s22+$0x0 ss:$0x1] =	vst.idx.msk $0xffff, v8  }
0x50: {  	s21 =	sshra.s32 s23, $0x2;
	s23 =	sadd.s32 $0x200, s23;
	[tilespmem:v0+s22+$0xFFFFFF90 ss:$0x1] =	vst.idx.msk $0xffff, v9;
	v7 =	vld.idx.msk [tilespmem:v1+s22+$0x20 ss:$0x1], $0xffff  }
.Ltmp4:
0x51: {  	_ = 	snop;
	(pc) =	sbr.rel .LBB1_4-.Ltmp4, $1  }
0x52: {  	_ =	sdelay $0x3  }
.LBB1_6:
0x53: {  	_ =	sfence.sel $0x180000  }
0x54: {  	s2 =	simm.s32 $0x1;
	[bflag:$0x0] =	sbarrier.arrive $0xFFFF  }
0x55: {  	s31 =	simm.s32 $0x2;
	[sflag:s2] =	ssyncpa.u1 $0x1  }
0x56: {  	[sflag:s31] =	ssyncpa.u1 $0x1  }
0x57: {  	p0 =	sne.s32 s0, $0x0;
	_ =	strace $0x90000047  }
0x58: {  	s0 =	sadd.s32 @!p0 $0x100000, s1;
	[bflag:$0x2] =	sbarrier.arrive $0xFFFF  }
0x59: {  	[sflag:s0] =	ssyncadd.tile.s32 @!p0 $0x1;
	_ =	shalt  }
.Lfunc_end1:
_tile_overlayer_lowered:
.L_overlay_start_2:
0x5a: {  	(tag) =	ssettag $0x2  }
0x5b: {  	s0 =	rddreg [dreg:$0x0];
	s2 =	stileid.u32  }
0x5c: {  	s1 =	rddreg [dreg:$0x1];
	p0 =	sne.s32 s2, $0x0  }
0x5d: {  	s3 =	rddreg [dreg:$0x2];
	[bflag:$0x3] =	sbarrier.arrive $0xFFFF;
	s2 =	simm.s32 @!p0 $0x1C01  }
0x5e: {  	[timem:s3], [sflag:s2] =	dma.local @!p0 [hbm:s0], s1  }
0x5f: {  	s0 =	simm.s32 @!p0 $0x1  }
0x60: {  	_ =	swait.ge @!p0 [sflag:s0], s1  }
0x61: {  	s1 =	ssub.s32 @!p0 $0x0, s1;
	[sflag:s0] =	ssyncset.done @!p0 $0x0  }
0x62: {  	[sflag:s0] =	ssyncadd.s32 @!p0 s1  }
0x63: {  	[bflag:$0x3] =	sbarrier.arrive $0xFFFF  }
0x64: {  	_ =	shalt  }

// kernel: sparse-core-data-format-call.cloned.1.call-start
scs
called_computation_lowered:
.L_overlay_start_0:
0x0: {  	s2 =	sld [smem:$0x3FD9]  }
0x1: {  	s3 =	sld [smem:$0x3FFE];
	_ =	sdelay $0x1  }
0x2: {  	s1 =	srdreg.scid  }
0x3: {  	s0 =	sand.u32 $0x1, s1  }
0x4: {  	s18 =	sshll.u32 s0, $0xA;
	s2 =	sadd.s32 s3, s2  }
0x5: {  	s2 =	sadd.s32 s2, s18  }
0x6: {  	[smem:$0x3FC5] =	sst s2  }
0x7: {  	_ = 	snop  }
0x8: {  	s19 =	sld [smem:$0x3FC8];
	(tm) =	ssettm $0x1  }
0x9: {  	s20 =	sld [smem:$0x3FFB];
	_ =	sdelay $0x3  }
0xa: {  	_ =	strace s20  }
0xb: {  	s2 =	sld [smem:$0x3FFC];
	_ =	sdelay $0x3  }
0xc: {  	_ =	strace s2  }
0xd: {  	s2 =	sld [smem:$0x3FFD];
	_ =	sdelay $0x3  }
0xe: {  	_ =	strace s2  }
0xf: {  	_ =	strace $0x8FFFFFFF  }
0x10: {  	s21 =	sld [smem:$0x3FDB];
	_ =	sdelay $0x1  }
0x11: {  	s4 =	simm.s32 $_scs_section_size  }
0x12: {  	s5 =	simm.s32 $_size__tile_overlayer_lowered;
	s6 =	simm.s32 $_tile_overlayer_lowered  }
0x13: {  	s7 =	simm.s32 $0x1BFF;
	s22 =	sshll.u32 s6, $0x1;
	s4 =	sadd.s32 s4, s21  }
0x14: {  	s23 =	simm.s32 $0x0;
	s5 =	sshll.u32 s5, $0x1;
	s6 =	sadd.s32 s22, s4  }
0x15: {  	[timem:s23], [sflag:s7] =	dma.local [hbm:s6], s5  }
0x16: {  	_ =	swait.ge [sflag:s7], s5  }
0x17: {  	s5 =	ssub.s32 $0x0, s5;
	[sflag:s7] =	ssyncset.done $0x0  }
0x18: {  	[sflag:s7] =	ssyncadd.s32 s5;
	_ =	sdelay $0x1  }
0x19: {  	s24 =	simm.s32 $0x1B8B  }
0x1a: {  	_ =	swait.ge [sflag:s24], $0x1  }
0x1b: {  	[sflag:s24] =	ssyncset.done $0x0  }
0x1c: {  	[sflag:s24] =	ssyncadd.s32 $0xFFFFFFFF  }
0x1d: {  	s5 =	sld [smem:$0x0]  }
0x1e: {  	s6 =	sand.u32 $0xFFFFFFFE, s1  }
0x1f: {  	p0 =	sne.s32 s1, s6  }
0x20: {  	s6 =	sshll.u32 @p0 s6, $0xE  }
0x21: {  	s6 =	sadd.s32 @p0 $0x11B8D, s6;
	s7 =	sshll.u32 @p0 s5, $0x11  }
0x22: {  	s6 =	sor.u32 @p0 s7, s6  }
0x23: {  	[sflag:s6] =	ssyncadd.remote.s32 @p0 $0x1;
	_ =	sdelay $0x1  }
0x24: {  	s6 =	simm.s32 @p0 $0x1B8D  }
0x25: {  	_ =	swait.eq @p0 [sflag:s6], $0x1  }
0x26: {  	[sflag:s6] =	ssyncadd.s32 @p0 $0xFFFFFFFF  }
0x27: {  	s7 =	sshll.u32 @!p0 s1, $0xE  }
0x28: {  	s7 =	sor.u32 @!p0 $0x4000, s7;
	s6 =	simm.s32 @!p0 $0x1B8D  }
0x29: {  	s5 =	sshll.u32 @!p0 s5, $0x11;
	s7 =	sadd.s32 @!p0 $0x11B8D, s7;
	_ =	swait.eq @!p0 [sflag:s6], $0x1  }
0x2a: {  	s5 =	sor.u32 @!p0 s5, s7;
	[sflag:s6] =	ssyncadd.s32 @!p0 $0xFFFFFFFF  }
0x2b: {  	s26 =	simm.s32 $0x1B8E;
	s25 =	sld [smem:$0x3FFE];
	[sflag:s5] =	ssyncadd.remote.s32 @!p0 $0x1  }
0x2c: {  	s27 =	simm.s32 $execute0_lowered;
	[smem:$0x3FD2] =	sst s26  }
0x2d: {  	s6 =	sshll.u32 s27, $0x1;
	_ =	strace $0x80000049;
	[dreg:$0x1] =	wrdreg $0xFFFFFFFF  }
0x2e: {  	s28 =	simm.s32 $_size_execute0_lowered;
	s4 =	sadd.s32 s4, s6;
	[dreg:$0x0] =	wrdreg $0x0  }
0x2f: {  	s6 =	sshll.u32 s28, $0x1;
	[dreg:$0x2] =	wrdreg s4  }
0x30: {  	[dreg:$0x3] =	wrdreg s6  }
0x31: {  	[dreg:$0x4] =	wrdreg $0xC0  }
0x32: {  	_ =	task [dreg:s23], $0x5FFFF  }
0x33: {  	[dreg:$0x1] =	wrdreg $0xFFFFFFFF  }
0x34: {  	[dreg:$0x0] =	wrdreg $0x60  }
0x35: {  	[dreg:$0x2] =	wrdreg s19  }
0x36: {  	[dreg:$0x3] =	wrdreg s25  }
0x37: {  	[dreg:$0x4] =	wrdreg $0x9  }
0x38: {  	_ =	task.clear_ibuf [dreg:s23], $0x5FFFF;
	_ =	strace $0x90000049  }
0x39: {  	s29 =	simm.s32 $0x9;
	_ =	strace $0x8000004B  }
0x3a: {  	_ =	swait.ge [sflag:s29], $0x1  }
0x3b: {  	[sflag:s29] =	ssyncadd.s32 $0xFFFFFFFF  }
0x3c: {  	_ =	strace $0x9000004B  }
0x3d: {  	_ =	sfence  }
0x3e: {  	s30 =	sld [smem:$0x0];
	_ =	sdelay $0x2  }
0x3f: {  	s31 =	sshll.u32 s1, $0xD;
	s1 =	sshrl.u32 s1, $0x2  }
0x40: {  	s4 =	sand.u32 $0x4000, s31;
	s1 =	sadd.s32 s1, s30  }
0x41: {  	s0 =	sor.u32 s4, s0;
	s1 =	sshll.u32 s1, $0x11  }
0x42: {  	s0 =	sor.u32 s1, s0  }
0x43: {  	s0 =	sadd.s32 $0x8F2B, s0  }
0x44: {  	[sflag:s0] =	ssyncadd.remote.s32 $0x1  }
0x45: {  	_ =	sfence.sel $0xFFFF  }
0x46: {  	[dreg:$0x0] =	wrdreg $0xFFFFFFFF;
	(pc) =	sbr.abs _section_cstart, $3  }
0x47: {  	[dreg:$0x1] =	wrdreg $0xFFFFFFFF  }
0x48: {  	_ =	task.clear_ibuf [dreg:s23], $0x2FFFF;
	_ =	strace $0x9FFFFFFF  }
0x49: {  	(tm) =	ssettm $0x7FFFFFFF  }
tec
execute0_lowered:
.L_overlay_start_1:
0x0: {  	(tag) =	ssettag $0x1  }
0x1: {  	s0 =	stileid.u32;
	s3 =	rddreg [dreg:$0x0]  }
0x2: {  	s1 =	srdreg.scid;
	s6 =	rddreg [dreg:$0x1]  }
0x3: {  	s8 =	simm.s32 $0x2;
	s2 =	sshll.u32 s0, $0x4;
	s1 =	sshll.u32 s1, $0x8  }
0x4: {  	s16 =	simm.s32 $0x0;
	s9 =	simm.s32 $0x1000;
	s1 =	sor.u32 s2, s1  }
0x5: {  	s10 =	simm.s32 $0x0;
	s17 =	simm.s32 $0x0;
	s2 =	sand.u32 $0x180, s1  }
0x6: {  	s19 =	simm.s32 $0x0;
	s18 =	simm.s32 $0x0;
	s1 =	ssub.s32 $0x200, s2  }
0x7: {  	s11 =	simm.s32 $0x0;
	s14 =	simm.s32 $0x0;
	s4 =	sand.u32 $0x180, s1  }
0x8: {  	s15 =	simm.s32 $0x0;
	p0 =	sne.s32 s4, $0x0;
	s4 =	simm.s32 $0x1  }
.Ltmp0:
0x9: {  	s5 =	sshrl.u32 s1, $0x9;
	s4 =	simm.s32 @!p0 $0x0;
	(pc) =	sbr.rel .LBB1_1-.Ltmp0, $4  }
0xa: {  	s7 =	sand.u32 $0x7, s0;
	s1 =	rddreg [dreg:$0x2];
	s5 =	sadd.s32 s4, s5  }
0xb: {  	_ =	strace $0x8000004A;
	s4 =	simm.s32 $0x1;
	s5 =	smul.u32 $0x30, s5  }
0xc: {  	s6 =	sadd.s32 $0x300A00, s6;
	s13 =	smov.u32 s7;
	[sflag:s4] =	ssyncpa.u1 $0x0  }
0xd: {  	s12 =	smov.u32 s2;
	[sflag:s8] =	ssyncpa.u1 $0x0;
	s8 =	sor.u32 $0x1, s5  }
.LBB1_4:
0xe: {  	_ =	sdelay $0x3  }
0xf: {  	[tilespmem:v0+s22+$0xFFFFFFA0 ss:$0x1] =	vst.idx.msk $0xffff, v6  }
0x10: {  	v56 =	vld.idx.msk [tilespmem:v1+s21+$0x30 ss:$0x1], $0xffff;
	[tilespmem:v0+s22+$0xFFFFFFB0 ss:$0x1] =	vst.idx.msk $0xffff, v4  }
0x11: {  	v57 =	vld.idx.msk [tilespmem:v1+s21+$0xFFFFFFC0 ss:$0x1], $0xffff;
	[tilespmem:v0+s22+$0xFFFFFFC0 ss:$0x1] =	vst.idx.msk $0xffff, v2  }
0x12: {  	v58 =	vld.idx.msk [tilespmem:v1+s21+$0xFFFFFFD0 ss:$0x1], $0xffff;
	[tilespmem:v0+s22+$0xFFFFFFD0 ss:$0x1] =	vst.idx.msk $0xffff, v3  }
0x13: {  	v59 =	vld.idx.msk [tilespmem:v1+s21+$0xFFFFFFE0 ss:$0x1], $0xffff;
	[tilespmem:v0+s22+$0xFFFFFFE0 ss:$0x1] =	vst.idx.msk $0xffff, v5  }
0x14: {  	v60 =	vld.idx.msk [tilespmem:v1+s21+$0xFFFFFFF0 ss:$0x1], $0xffff;
	[tilespmem:v0+s22+$0xFFFFFFF0 ss:$0x1] =	vst.idx.msk $0xffff, v7  }
0x15: {  	v61 =	vld.idx.msk [tilespmem:v1+s21+$0x0 ss:$0x1], $0xffff;
	[tilespmem:v0+s21+$0x0 ss:$0x1] =	vst.idx.msk $0xffff, v56  }
0x16: {  	v62 =	vld.idx.msk [tilespmem:v1+s21+$0x10 ss:$0x1], $0xffff;
	[tilespmem:v0+s21+$0xFFFFFF90 ss:$0x1] =	vst.idx.msk $0xffff, v57  }
0x17: {  	s19 =	sshll.u32 s19, $0x7;
	v63 =	vld.idx.msk [tilespmem:v1+s21+$0x20 ss:$0x1], $0xffff;
	s29 =	sand.u32 $0x78, s16;
	[tilespmem:v0+s21+$0xFFFFFFA0 ss:$0x1] =	vst.idx.msk $0xffff, v58  }
0x18: {  	s30 =	sshll.u32 s16, $0x3;
	s18 =	sshll.u32 s18, $0x12;
	s19 =	sand.u32 $0x380, s19;
	[tilespmem:v0+s21+$0xFFFFFFB0 ss:$0x1] =	vst.idx.msk $0xffff, v59  }
0x19: {  	s17 =	sshll.u32 s17, $0x9;
	s22 =	sand.u32 $0xC00, s30;
	s19 =	sor.u32 s29, s19;
	[tilespmem:v0+s21+$0xFFFFFFC0 ss:$0x1] =	vst.idx.msk $0xffff, v60  }
0x1a: {  	s31 =	sand.u32 $0x7, s16;
	s18 =	sadd.s32 s6, s18;
	s19 =	sor.u32 s22, s19;
	[tilespmem:v0+s21+$0xFFFFFFD0 ss:$0x1] =	vst.idx.msk $0xffff, v61  }
0x1b: {  	s16 =	sshll.u32 s31, $0x12;
	s17 =	sadd.s32 s17, s18;
	s19 =	sshrl.u32 s19, $0x3;
	[tilespmem:v0+s21+$0xFFFFFFE0 ss:$0x1] =	vst.idx.msk $0xffff, v62  }
0x1c: {  	s16 =	sor.u32 $0x80, s16;
	[tilespmem:v0+s21+$0xFFFFFFF0 ss:$0x1] =	vst.idx.msk $0xffff, v63;
	s17 =	sadd.s32 s19, s17  }
0x1d: {  	[hbm4b:s17+s16] =	stream.strided.scatter [tilespmem:s20], [sflag:$0x2], $0x4000, s9, s16, $0x38;
	[tilespmem:$0x10000] =	vst v63  }
.LBB1_5:
0x1e: {  	s20 =	sadd.s32 $0x80, s11  }
0x1f: {  	s16 =	sadd.s32 $0x200, s12;
	s21 =	smov.u32 s12;
	p1 =	sgt.s32 s20, $0x1FF  }
0x20: {  	s21 =	smov.u32 @p1 s16  }
0x21: {  	s22 =	smov.u32 s13;
	s16 =	sadd.s32 $0x8, s13;
	p2 =	sgt.s32 s21, $0x1FF  }
0x22: {  	s22 =	smov.u32 @p2 s16  }
0x23: {  	s16 =	simm.s32 $0x1;
	p3 =	sgt.s32 s22, $0x7  }
0x24: {  	s16 =	simm.s32 @!p3 $0x0  }
0x25: {  	p0 =	slt.u32 s15, $0x2;
	s24 =	sadd.s32 s16, s14  }
0x26: {  	s17 =	smov.u32 s12;
	s20 =	simm.s32 @p1 $0x0;
	p1 =	sgt.s32 s24, $0xB  }
0x27: {  	s23 =	simm.s32 @!p0 $0x2;
	s24 =	simm.s32 @p1 $0x0;
	p1 =	sne.s32 s15, s8  }
.Ltmp1:
0x28: {  	s19 =	smov.u32 s13;
	_ =	swait.ge @!p0 [sflag:s23], $0x4000;
	(pc) =	sbr.rel @!p1 .LBB1_6-.Ltmp1, $4  }
0x29: {  	s18 =	smov.u32 s14;
	[sflag:s23] =	ssyncset.done @!p0 $0x0;
	s21 =	smov.u32 @p2 s2  }
0x2a: {  	s10 =	sadd.s32 $0x4000, s10;
	[sflag:s23] =	ssyncadd.s32 @!p0 $0xFFFFC000;
	s12 =	smov.u32 s21  }
0x2b: {  	s22 =	smov.u32 @p3 s7;
	s16 =	smov.u32 s11;
	s11 =	smov.u32 s20  }
0x2c: {  	s13 =	smov.u32 s22;
	s15 =	sadd.s32 $0x1, s15;
	s14 =	smov.u32 s24  }
.LBB1_1:
0x2d: {  	p0 =	sge.u32 s15, s5;
	s31 =	sadd.s32 $0xFFFFFFFF, s15  }
0x2e: {  	s20 =	sxor.u32 @!p0 $0xFFFFFFFF, s15;
	s21 =	sand.u32 @!p0 $0x78, s11;
	s22 =	sshll.u32 @!p0 s12, $0x9  }
0x2f: {  	s23 =	sshll.u32 @!p0 s11, $0x3;
	s24 =	sshll.u32 @!p0 s12, $0x7;
	s20 =	sshll.u32 @!p0 s20, $0xE  }
0x30: {  	s22 =	sand.u32 @!p0 $0x3F000, s22;
	s23 =	sand.u32 @!p0 $0x3FC00, s23;
	s20 =	sand.u32 @!p0 $0x4000, s20  }
0x31: {  	s22 =	sadd.s32 @!p0 s22, s23;
	s23 =	sand.u32 @!p0 $0x200, s24;
	s24 =	sand.u32 @!p0 $0x180, s24  }
0x32: {  	s22 =	sor.u32 @!p0 s23, s22;
	s21 =	sor.u32 @!p0 s21, s24;
	s23 =	sshll.u32 @!p0 s14, $0x12  }
0x33: {  	s24 =	sshll.u32 @!p0 s13, $0xF;
	s22 =	sshrl.u32 @!p0 s22, $0x3;
	s23 =	sadd.s32 @!p0 s3, s23  }
0x34: {  	s21 =	sshrl.u32 @!p0 s21, $0x3;
	s23 =	sadd.s32 @!p0 s24, s23;
	s24 =	sand.u32 @!p0 $0x7, s11  }
0x35: {  	s22 =	sand.u32 @!p0 $0x7FC0, s22;
	s21 =	sadd.s32 @!p0 s21, s23;
	s23 =	sshll.u32 @!p0 s24, $0x12  }
0x36: {  	s21 =	sadd.s32 @!p0 s22, s21;
	s22 =	sor.u32 @!p0 $0x400, s23;
	s23 =	simm.s32 @!p0 $0x1000  }
0x37: {  	[tilespmem:s20], [sflag:$0x1] =	stream.strided.gather @!p0 [hbm4b:s21+s22], $0x4000, s23, s22, $0x38;
	[tilespmem:$0x10000] =	vst v63  }
0x38: {  	p0 =	sge.u32 s31, s5  }
.Ltmp2:
0x39: {  	_ = 	snop;
	(pc) =	sbr.rel @p0 .LBB1_5-.Ltmp2, $1  }
0x3a: {  	_ =	sdelay $0x3  }
0x3b: {  	s20 =	sand.u32 $0x4000, s10  }
0x3c: {  	s21 =	sor.u32 $0x40, s20  }
0x3d: {  	v1 =	vmov s21;
	_ =	sdelay $0x1  }
0x3e: {  	_ =	swait.ge [sflag:s4], $0x4000  }
0x3f: {  	[sflag:s4] =	ssyncset.done $0x0  }
0x40: {  	s22 =	simm.s32 $0x0;
	[sflag:s4] =	ssyncadd.s32 $0xFFFFC000  }
0x41: {  	s20 =	sor.u32 $0x8070, s20;
	v7 =	vld.idx.msk [tilespmem:v1+s22+$0x30 ss:$0x1], $0xffff  }
0x42: {  	v0 =	vmov s20;
	v8 =	vld.idx.msk [tilespmem:v1+s22+$0xFFFFFFC0 ss:$0x1], $0xffff  }
0x43: {  	v6 =	vld.idx.msk [tilespmem:v1+s22+$0xFFFFFFD0 ss:$0x1], $0xffff  }
0x44: {  	v4 =	vld.idx.msk [tilespmem:v1+s22+$0xFFFFFFE0 ss:$0x1], $0xffff  }
0x45: {  	v2 =	vld.idx.msk [tilespmem:v1+s22+$0xFFFFFFF0 ss:$0x1], $0xffff  }
0x46: {  	s31 =	sshll.u32 s15, $0xE;
	v3 =	vld.idx.msk [tilespmem:v1+s22+$0x0 ss:$0x1], $0xffff  }
0x47: {  	s20 =	sand.u32 $0x4000, s31;
	v5 =	vld.idx.msk [tilespmem:v1+s22+$0x10 ss:$0x1], $0xffff;
	[tilespmem:v0+s22+$0x0 ss:$0x1] =	vst.idx.msk $0xffff, v7  }
0x48: {  	s23 =	simm.s32 $0x400;
	s21 =	simm.s32 $0x80;
	s20 =	sor.u32 $0x8000, s20;
	[tilespmem:v0+s22+$0xFFFFFF90 ss:$0x1] =	vst.idx.msk $0xffff, v8;
	v7 =	vld.idx.msk [tilespmem:v1+s22+$0x20 ss:$0x1], $0xffff  }
.LBB1_3:
0x49: {  	p0 =	sne.s32 s23, $0xFE00;
	v8 =	vld.idx.msk [tilespmem:v1+s21+$0x30 ss:$0x1], $0xffff;
	[tilespmem:v0+s22+$0xFFFFFFA0 ss:$0x1] =	vst.idx.msk $0xffff, v6  }
0x4a: {  	v9 =	vld.idx.msk [tilespmem:v1+s21+$0xFFFFFFC0 ss:$0x1], $0xffff;
	[tilespmem:v0+s22+$0xFFFFFFB0 ss:$0x1] =	vst.idx.msk $0xffff, v4  }
0x4b: {  	v6 =	vld.idx.msk [tilespmem:v1+s21+$0xFFFFFFD0 ss:$0x1], $0xffff;
	[tilespmem:v0+s22+$0xFFFFFFC0 ss:$0x1] =	vst.idx.msk $0xffff, v2  }
.Ltmp3:
0x4c: {  	v4 =	vld.idx.msk [tilespmem:v1+s21+$0xFFFFFFE0 ss:$0x1], $0xffff;
	[tilespmem:v0+s22+$0xFFFFFFD0 ss:$0x1] =	vst.idx.msk $0xffff, v3;
	(pc) =	sbr.rel @p0 .LBB1_3-.Ltmp3, $4  }
0x4d: {  	v2 =	vld.idx.msk [tilespmem:v1+s21+$0xFFFFFFF0 ss:$0x1], $0xffff;
	[tilespmem:v0+s22+$0xFFFFFFE0 ss:$0x1] =	vst.idx.msk $0xffff, v5  }
0x4e: {  	v3 =	vld.idx.msk [tilespmem:v1+s21+$0x0 ss:$0x1], $0xffff;
	[tilespmem:v0+s22+$0xFFFFFFF0 ss:$0x1] =	vst.idx.msk $0xffff, v7;
	s22 =	smov.u32 s21  }
0x4f: {  	v5 =	vld.idx.msk [tilespmem:v1+s22+$0x10 ss:$0x1], $0xffff;
	[tilespmem:v0+s22+$0x0 ss:$0x1] =	vst.idx.msk $0xffff, v8  }
0x50: {  	s21 =	sshra.s32 s23, $0x2;
	s23 =	sadd.s32 $0x200, s23;
	[tilespmem:v0+s22+$0xFFFFFF90 ss:$0x1] =	vst.idx.msk $0xffff, v9;
	v7 =	vld.idx.msk [tilespmem:v1+s22+$0x20 ss:$0x1], $0xffff  }
.Ltmp4:
0x51: {  	_ = 	snop;
	(pc) =	sbr.rel .LBB1_4-.Ltmp4, $1  }
0x52: {  	_ =	sdelay $0x3  }
.LBB1_6:
0x53: {  	_ =	sfence.sel $0x180000  }
0x54: {  	s2 =	simm.s32 $0x1;
	[bflag:$0x0] =	sbarrier.arrive $0xFFFF  }
0x55: {  	s31 =	simm.s32 $0x2;
	[sflag:s2] =	ssyncpa.u1 $0x1  }
0x56: {  	[sflag:s31] =	ssyncpa.u1 $0x1  }
0x57: {  	p0 =	sne.s32 s0, $0x0;
	_ =	strace $0x9000004A  }
0x58: {  	s0 =	sadd.s32 @!p0 $0x100000, s1;
	[bflag:$0x2] =	sbarrier.arrive $0xFFFF  }
0x59: {  	[sflag:s0] =	ssyncadd.tile.s32 @!p0 $0x1;
	_ =	shalt  }
.Lfunc_end1:
_tile_overlayer_lowered:
.L_overlay_start_2:
0x5a: {  	(tag) =	ssettag $0x2  }
0x5b: {  	s0 =	rddreg [dreg:$0x0];
	s2 =	stileid.u32  }
0x5c: {  	s1 =	rddreg [dreg:$0x1];
	p0 =	sne.s32 s2, $0x0  }
0x5d: {  	s3 =	rddreg [dreg:$0x2];
	[bflag:$0x3] =	sbarrier.arrive $0xFFFF;
	s2 =	simm.s32 @!p0 $0x1C01  }
0x5e: {  	[timem:s3], [sflag:s2] =	dma.local @!p0 [hbm:s0], s1  }
0x5f: {  	s0 =	simm.s32 @!p0 $0x1  }
0x60: {  	_ =	swait.ge @!p0 [sflag:s0], s1  }
0x61: {  	s1 =	ssub.s32 @!p0 $0x0, s1;
	[sflag:s0] =	ssyncset.done @!p0 $0x0  }
0x62: {  	[sflag:s0] =	ssyncadd.s32 @!p0 s1  }
0x63: {  	[bflag:$0x3] =	sbarrier.arrive $0xFFFF  }
0x64: {  	_ =	shalt  }

</sc_bundles>
